<compile_context>
chip_gen: v7x
topology: tpu7x:2x2x1
jax: 0.10.2.dev20260603
libtpu: 0.0.44.dev20260713+nightly
codegen_flags: <defaults>
</compile_context>

<pallas_src>
import functools

import jax
import jax.numpy as jnp
from jax import lax
from jax.experimental import pallas as pl
from jax.experimental.pallas import tpu as pltpu
from jax.experimental.pallas import tpu_sc as plsc

BATCH = 4096
SEQ = 200
DIM = 64
N = BATCH * SEQ
NW = 32
PER_W = N // NW
GSZ = 256
NGRP = PER_W // GSZ
NSLOT = 2


@functools.partial(
    pl.kernel,
    mesh=plsc.VectorSubcoreMesh(core_axis_name="c", subcore_axis_name="s"),
    out_type=jax.ShapeDtypeStruct((N, 2 * DIM), jnp.float32),
    scratch_types=[
        pltpu.VMEM((PER_W,), jnp.int32),
        pltpu.VMEM((PER_W,), jnp.int32),
        [pltpu.VMEM((GSZ, DIM), jnp.float32) for _ in range(NSLOT)],
        [pltpu.VMEM((GSZ, DIM), jnp.float32) for _ in range(NSLOT)],
        [pltpu.SemaphoreType.DMA for _ in range(NSLOT)],
        [pltpu.SemaphoreType.DMA for _ in range(NSLOT)],
        [pltpu.SemaphoreType.DMA for _ in range(NSLOT)],
        [pltpu.SemaphoreType.DMA for _ in range(NSLOT)],
    ],
    compiler_params=pltpu.CompilerParams(use_tc_tiling_on_sc=False),
)
def _sc_gather(src_hbm, tgt_hbm, enc_hbm, dec_hbm, out_hbm,
               idx_s, idx_t, re, rd, ge, gd, we, wd):
    wid = lax.axis_index("s") * 2 + lax.axis_index("c")
    base = wid * PER_W

    pltpu.sync_copy(src_hbm.at[pl.ds(base, PER_W)], idx_s)
    pltpu.sync_copy(tgt_hbm.at[pl.ds(base, PER_W)], idx_t)

    def fire_gather(g, b):
        pltpu.async_copy(enc_hbm.at[idx_s.at[pl.ds(g * GSZ, GSZ)]], re[b], ge[b])
        pltpu.async_copy(dec_hbm.at[idx_t.at[pl.ds(g * GSZ, GSZ)]], rd[b], gd[b])

    def wait_gather(g, b):
        pltpu.make_async_copy(enc_hbm.at[idx_s.at[pl.ds(g * GSZ, GSZ)]], re[b], ge[b]).wait()
        pltpu.make_async_copy(dec_hbm.at[idx_t.at[pl.ds(g * GSZ, GSZ)]], rd[b], gd[b]).wait()

    def out_e(g):
        return out_hbm.at[pl.ds(base + g * GSZ, GSZ), pl.ds(0, DIM)]

    def out_d(g):
        return out_hbm.at[pl.ds(base + g * GSZ, GSZ), pl.ds(DIM, DIM)]

    def fire_write(g, b):
        pltpu.async_copy(re[b], out_e(g), we[b])
        pltpu.async_copy(rd[b], out_d(g), wd[b])

    def wait_write(g, b):
        pltpu.make_async_copy(re[b], out_e(g), we[b]).wait()
        pltpu.make_async_copy(rd[b], out_d(g), wd[b]).wait()

    fire_gather(0, 0)

    def body(k, carry):
        g = 2 * k

        @pl.when(k > 0)
        def _():
            wait_write(g - 1, 1)
        fire_gather(g + 1, 1)
        wait_gather(g, 0)
        fire_write(g, 0)

        wait_write(g, 0)

        @pl.when(g + 2 < NGRP)
        def _():
            fire_gather(g + 2, 0)
        wait_gather(g + 1, 1)
        fire_write(g + 1, 1)
        return carry

    lax.fori_loop(0, NGRP // 2, body, 0)
    wait_write(NGRP - 1, 1)


def kernel(src_ids, tgt_ids, enc_table, dec_table):
    out = _sc_gather(src_ids.reshape(N), tgt_ids.reshape(N),
                     enc_table, dec_table)
    return out.reshape(BATCH, SEQ, 2 * DIM)

# --- scband reference (transcript-rebuilt; emitter-appended) ---
"""Pipeline reference for scband-base-7181185319393 (READ-ONLY COPY).

The authoritative reference and input builder live on the scoring server;
editing this copy changes nothing except your own understanding.
"""

import jax, jax.numpy as jnp
import numpy as np

SRC_SIZE = 100000
TGT_SIZE = 100000
ENC_DIM = 64
DEC_DIM = 64
BATCH = 4096
SEQ = 200


def setup_inputs(seed: int = 0) -> dict:
    key = jax.random.key(seed)
    k1, k2, k3, k4 = jax.random.split(key, 4)
    src_ids = jax.random.randint(k1, (BATCH, SEQ), 0, SRC_SIZE, dtype=jnp.int64 if jax.config.jax_enable_x64 else jnp.int32).astype(jnp.int32)
    tgt_ids = jax.random.randint(k2, (BATCH, SEQ), 0, TGT_SIZE, dtype=jnp.int32)
    enc_table = jax.random.normal(k3, (SRC_SIZE, ENC_DIM), dtype=jnp.float32)
    dec_table = jax.random.normal(k4, (TGT_SIZE, DEC_DIM), dtype=jnp.float32)
    # padding_idx=0: row 0 is zeros, matching nn.Embedding(padding_idx=0) init
    enc_table = enc_table.at[0].set(0.0)
    dec_table = dec_table.at[0].set(0.0)
    return {"src_ids": src_ids, "tgt_ids": tgt_ids, "enc_table": enc_table, "dec_table": dec_table}


def reference(src_ids, tgt_ids, enc_table, dec_table):
    # enc_emb(src_ids), dec_emb(tgt_ids) -> concatenated along feature dim
    enc_out = jnp.take(enc_table, src_ids, axis=0)
    dec_out = jnp.take(dec_table, tgt_ids, axis=0)
    return jnp.concatenate([enc_out, dec_out], axis=-1)

if __name__ == "__main__":
    import jax
    _d = setup_inputs()
    print(jax.jit(kernel)(*tuple(_d.values())))

</pallas_src>

<mosaic_0001>
#map = affine_map<(d0, d1) -> (0)>
#map1 = affine_map<(d0, d1) -> (0, 0)>
module attributes {stable_mosaic.version = 14 : i64} {
  func.func @_sc_gather(%arg0: i32, %arg1: i32, %arg2: memref<819200xi32, #tpu.memory_space<hbm>>, %arg3: memref<819200xi32, #tpu.memory_space<hbm>>, %arg4: memref<100000x64xf32, #tpu.memory_space<hbm>>, %arg5: memref<100000x64xf32, #tpu.memory_space<hbm>>, %arg6: memref<819200x128xf32, #tpu.memory_space<hbm>>, %arg7: memref<25600xi32, #tpu.memory_space<vmem>>, %arg8: memref<25600xi32, #tpu.memory_space<vmem>>, %arg9: memref<256x64xf32, #tpu.memory_space<vmem>>, %arg10: memref<256x64xf32, #tpu.memory_space<vmem>>, %arg11: memref<256x64xf32, #tpu.memory_space<vmem>>, %arg12: memref<256x64xf32, #tpu.memory_space<vmem>>, %arg13: memref<!tpu.dma_semaphore, #tpu.memory_space<semaphore_mem>>, %arg14: memref<!tpu.dma_semaphore, #tpu.memory_space<semaphore_mem>>, %arg15: memref<!tpu.dma_semaphore, #tpu.memory_space<semaphore_mem>>, %arg16: memref<!tpu.dma_semaphore, #tpu.memory_space<semaphore_mem>>, %arg17: memref<!tpu.dma_semaphore, #tpu.memory_space<semaphore_mem>>, %arg18: memref<!tpu.dma_semaphore, #tpu.memory_space<semaphore_mem>>, %arg19: memref<!tpu.dma_semaphore, #tpu.memory_space<semaphore_mem>>, %arg20: memref<!tpu.dma_semaphore, #tpu.memory_space<semaphore_mem>>) attributes {dimension_semantics = [#tpu.dimension_semantics<core_parallel>, #tpu.dimension_semantics<subcore_parallel>], iteration_bounds = array<i64: 2, 16>, scalar_prefetch = 0 : i64, scratch_operands = 14 : i64, tpu.core_type = #tpu.core_type<sc_vector_subcore>, window_params = [{transform_indices = #map}, {transform_indices = #map}, {transform_indices = #map1}, {transform_indices = #map1}, {transform_indices = #map1}]} {
    %mul3A = arith.constant 2 : i32
    %mul3A_0 = arith.muli %arg1, %mul3A : i32
    %add3A = arith.addi %mul3A_0, %arg0 : i32
    %mul3A_1 = arith.constant 25600 : i32
    %mul3A_2 = arith.muli %add3A, %mul3A_1 : i32
    "tpu.region"() ({
      %run_scoped3A = tpu.sem_alloc : memref<!tpu.dma_semaphore, #tpu.memory_space<semaphore_mem>>
      %dma_start3A_28 = tpu.memref_slice %arg2[%mul3A_2] : memref<819200xi32, #tpu.memory_space<hbm>> -> memref<25600xi32, #tpu.memory_space<hbm>>
      %dma_start3A_29 = tpu.memref_slice %arg2[%mul3A_2] : memref<819200xi32, #tpu.memory_space<hbm>> -> memref<25600xi32, #tpu.memory_space<hbm>>
      tpu.enqueue_dma source(%dma_start3A_29 : memref<25600xi32, #tpu.memory_space<hbm>>) target(%arg7 : memref<25600xi32, #tpu.memory_space<vmem>>) target_semaphore(%run_scoped3A : memref<!tpu.dma_semaphore, #tpu.memory_space<semaphore_mem>>)
      %dma_wait3A_30 = tpu.memref_slice %arg2[%mul3A_2] : memref<819200xi32, #tpu.memory_space<hbm>> -> memref<25600xi32, #tpu.memory_space<hbm>>
      %dma_wait3A_31 = tpu.memref_slice %arg2[%mul3A_2] : memref<819200xi32, #tpu.memory_space<hbm>> -> memref<25600xi32, #tpu.memory_space<hbm>>
      tpu.wait_dma2 semaphore(%run_scoped3A : memref<!tpu.dma_semaphore, #tpu.memory_space<semaphore_mem>>) src(%dma_wait3A_31 : memref<25600xi32, #tpu.memory_space<hbm>>) dst(%arg7 : memref<25600xi32, #tpu.memory_space<vmem>>)
      tpu.yield
    }) : () -> ()
    "tpu.region"() ({
      %run_scoped3A = tpu.sem_alloc : memref<!tpu.dma_semaphore, #tpu.memory_space<semaphore_mem>>
      %dma_start3A_28 = tpu.memref_slice %arg3[%mul3A_2] : memref<819200xi32, #tpu.memory_space<hbm>> -> memref<25600xi32, #tpu.memory_space<hbm>>
      %dma_start3A_29 = tpu.memref_slice %arg3[%mul3A_2] : memref<819200xi32, #tpu.memory_space<hbm>> -> memref<25600xi32, #tpu.memory_space<hbm>>
      tpu.enqueue_dma source(%dma_start3A_29 : memref<25600xi32, #tpu.memory_space<hbm>>) target(%arg8 : memref<25600xi32, #tpu.memory_space<vmem>>) target_semaphore(%run_scoped3A : memref<!tpu.dma_semaphore, #tpu.memory_space<semaphore_mem>>)
      %dma_wait3A_30 = tpu.memref_slice %arg3[%mul3A_2] : memref<819200xi32, #tpu.memory_space<hbm>> -> memref<25600xi32, #tpu.memory_space<hbm>>
      %dma_wait3A_31 = tpu.memref_slice %arg3[%mul3A_2] : memref<819200xi32, #tpu.memory_space<hbm>> -> memref<25600xi32, #tpu.memory_space<hbm>>
      tpu.wait_dma2 semaphore(%run_scoped3A : memref<!tpu.dma_semaphore, #tpu.memory_space<semaphore_mem>>) src(%dma_wait3A_31 : memref<25600xi32, #tpu.memory_space<hbm>>) dst(%arg8 : memref<25600xi32, #tpu.memory_space<vmem>>)
      tpu.yield
    }) : () -> ()
    %dma_start3A = arith.constant 0 : i32
    %dma_start3A_3 = tpu.memref_slice %arg7[%dma_start3A] : memref<25600xi32, #tpu.memory_space<vmem>> -> memref<256xi32, #tpu.memory_space<vmem>>
    %dma_start3A_4 = arith.constant 0 : i32
    %dma_start3A_5 = arith.constant 0 : i32
    %dma_start3A_6 = tpu.memref_slice %arg4[%dma_start3A_4, %dma_start3A_5] : memref<100000x64xf32, #tpu.memory_space<hbm>> -> memref<100000x64xf32, #tpu.memory_space<hbm>>
    tpu.enqueue_indirect_dma source(%dma_start3A_6 : memref<100000x64xf32, #tpu.memory_space<hbm>>) target(%arg9 : memref<256x64xf32, #tpu.memory_space<vmem>>) offsets(%dma_start3A_3 : memref<256xi32, #tpu.memory_space<vmem>>) semaphore(%arg13 : memref<!tpu.dma_semaphore, #tpu.memory_space<semaphore_mem>>)
    %dma_start3A_7 = arith.constant 0 : i32
    %dma_start3A_8 = tpu.memref_slice %arg8[%dma_start3A_7] : memref<25600xi32, #tpu.memory_space<vmem>> -> memref<256xi32, #tpu.memory_space<vmem>>
    %dma_start3A_9 = arith.constant 0 : i32
    %dma_start3A_10 = arith.constant 0 : i32
    %dma_start3A_11 = tpu.memref_slice %arg5[%dma_start3A_9, %dma_start3A_10] : memref<100000x64xf32, #tpu.memory_space<hbm>> -> memref<100000x64xf32, #tpu.memory_space<hbm>>
    tpu.enqueue_indirect_dma source(%dma_start3A_11 : memref<100000x64xf32, #tpu.memory_space<hbm>>) target(%arg11 : memref<256x64xf32, #tpu.memory_space<vmem>>) offsets(%dma_start3A_8 : memref<256xi32, #tpu.memory_space<vmem>>) semaphore(%arg15 : memref<!tpu.dma_semaphore, #tpu.memory_space<semaphore_mem>>)
    %scan3A = arith.constant 0 : i32
    %scan3A_12 = arith.constant 0 : i32
    %scan3A_13 = arith.constant 50 : i32
    %scan3A_14 = arith.addi %scan3A_12, %scan3A_13 : i32
    %scan3A_15 = arith.constant 1 : i32
    scf.for %scan3A_28 = %scan3A_12 to %scan3A_14 step %scan3A_15  : i32 {
      %mul3A_29 = arith.constant 2 : i32
      %mul3A_30 = arith.muli %mul3A_29, %scan3A_28 : i32
      %gt3A = arith.constant 0 : i32
      %gt3A_31 = arith.cmpi sgt, %scan3A_28, %gt3A : i32
      %convert_element_type3A = arith.extui %gt3A_31 : i1 to i32
      %cond3A = arith.constant 0 : i32
      %cond3A_32 = arith.cmpi ne, %convert_element_type3A, %cond3A : i32
      scf.if %cond3A_32 {
        %sub3A = arith.constant 1 : i32
        %sub3A_123 = arith.subi %mul3A_30, %sub3A : i32
        %mul3A_124 = arith.constant 256 : i32
        %mul3A_125 = arith.muli %sub3A_123, %mul3A_124 : i32
        %add3A_126 = arith.addi %mul3A_2, %mul3A_125 : i32
        %dma_wait3A_127 = arith.constant 0 : i32
        %dma_wait3A_128 = tpu.memref_slice %arg6[%add3A_126, %dma_wait3A_127] : memref<819200x128xf32, #tpu.memory_space<hbm>> -> memref<256x64xf32, #tpu.memory_space<hbm>>
        %dma_wait3A_129 = arith.constant 0 : i32
        %dma_wait3A_130 = tpu.memref_slice %arg6[%add3A_126, %dma_wait3A_129] : memref<819200x128xf32, #tpu.memory_space<hbm>> -> memref<256x64xf32, #tpu.memory_space<hbm>>
        tpu.wait_dma2 semaphore(%arg18 : memref<!tpu.dma_semaphore, #tpu.memory_space<semaphore_mem>>) src(%arg10 : memref<256x64xf32, #tpu.memory_space<vmem>>) dst(%dma_wait3A_130 : memref<256x64xf32, #tpu.memory_space<hbm>>)
        %mul3A_131 = arith.constant 256 : i32
        %mul3A_132 = arith.muli %sub3A_123, %mul3A_131 : i32
        %add3A_133 = arith.addi %mul3A_2, %mul3A_132 : i32
        %dma_wait3A_134 = arith.constant 64 : i32
        %dma_wait3A_135 = tpu.memref_slice %arg6[%add3A_133, %dma_wait3A_134] : memref<819200x128xf32, #tpu.memory_space<hbm>> -> memref<256x64xf32, #tpu.memory_space<hbm>>
        %dma_wait3A_136 = arith.constant 64 : i32
        %dma_wait3A_137 = tpu.memref_slice %arg6[%add3A_133, %dma_wait3A_136] : memref<819200x128xf32, #tpu.memory_space<hbm>> -> memref<256x64xf32, #tpu.memory_space<hbm>>
        tpu.wait_dma2 semaphore(%arg20 : memref<!tpu.dma_semaphore, #tpu.memory_space<semaphore_mem>>) src(%arg12 : memref<256x64xf32, #tpu.memory_space<vmem>>) dst(%dma_wait3A_137 : memref<256x64xf32, #tpu.memory_space<hbm>>)
      } else {
      }
      %add3A_33 = arith.constant 1 : i32
      %add3A_34 = arith.addi %mul3A_30, %add3A_33 : i32
      %mul3A_35 = arith.constant 256 : i32
      %mul3A_36 = arith.muli %add3A_34, %mul3A_35 : i32
      %dma_start3A_37 = tpu.memref_slice %arg7[%mul3A_36] : memref<25600xi32, #tpu.memory_space<vmem>> -> memref<256xi32, #tpu.memory_space<vmem>>
      %dma_start3A_38 = arith.constant 0 : i32
      %dma_start3A_39 = arith.constant 0 : i32
      %dma_start3A_40 = tpu.memref_slice %arg4[%dma_start3A_38, %dma_start3A_39] : memref<100000x64xf32, #tpu.memory_space<hbm>> -> memref<100000x64xf32, #tpu.memory_space<hbm>>
      tpu.enqueue_indirect_dma source(%dma_start3A_40 : memref<100000x64xf32, #tpu.memory_space<hbm>>) target(%arg10 : memref<256x64xf32, #tpu.memory_space<vmem>>) offsets(%dma_start3A_37 : memref<256xi32, #tpu.memory_space<vmem>>) semaphore(%arg14 : memref<!tpu.dma_semaphore, #tpu.memory_space<semaphore_mem>>)
      %mul3A_41 = arith.constant 256 : i32
      %mul3A_42 = arith.muli %add3A_34, %mul3A_41 : i32
      %dma_start3A_43 = tpu.memref_slice %arg8[%mul3A_42] : memref<25600xi32, #tpu.memory_space<vmem>> -> memref<256xi32, #tpu.memory_space<vmem>>
      %dma_start3A_44 = arith.constant 0 : i32
      %dma_start3A_45 = arith.constant 0 : i32
      %dma_start3A_46 = tpu.memref_slice %arg5[%dma_start3A_44, %dma_start3A_45] : memref<100000x64xf32, #tpu.memory_space<hbm>> -> memref<100000x64xf32, #tpu.memory_space<hbm>>
      tpu.enqueue_indirect_dma source(%dma_start3A_46 : memref<100000x64xf32, #tpu.memory_space<hbm>>) target(%arg12 : memref<256x64xf32, #tpu.memory_space<vmem>>) offsets(%dma_start3A_43 : memref<256xi32, #tpu.memory_space<vmem>>) semaphore(%arg16 : memref<!tpu.dma_semaphore, #tpu.memory_space<semaphore_mem>>)
      %mul3A_47 = arith.constant 256 : i32
      %mul3A_48 = arith.muli %mul3A_30, %mul3A_47 : i32
      %dma_wait3A_49 = tpu.memref_slice %arg7[%mul3A_48] : memref<25600xi32, #tpu.memory_space<vmem>> -> memref<256xi32, #tpu.memory_space<vmem>>
      %dma_wait3A_50 = arith.constant 0 : i32
      %dma_wait3A_51 = arith.constant 0 : i32
      %dma_wait3A_52 = tpu.memref_slice %arg4[%dma_wait3A_50, %dma_wait3A_51] : memref<100000x64xf32, #tpu.memory_space<hbm>> -> memref<100000x64xf32, #tpu.memory_space<hbm>>
      tpu.wait_indirect_dma semaphore(%arg13 : memref<!tpu.dma_semaphore, #tpu.memory_space<semaphore_mem>>) src(%dma_wait3A_52 : memref<100000x64xf32, #tpu.memory_space<hbm>>) dst(%arg9 : memref<256x64xf32, #tpu.memory_space<vmem>>)
      %mul3A_53 = arith.constant 256 : i32
      %mul3A_54 = arith.muli %mul3A_30, %mul3A_53 : i32
      %dma_wait3A_55 = tpu.memref_slice %arg8[%mul3A_54] : memref<25600xi32, #tpu.memory_space<vmem>> -> memref<256xi32, #tpu.memory_space<vmem>>
      %dma_wait3A_56 = arith.constant 0 : i32
      %dma_wait3A_57 = arith.constant 0 : i32
      %dma_wait3A_58 = tpu.memref_slice %arg5[%dma_wait3A_56, %dma_wait3A_57] : memref<100000x64xf32, #tpu.memory_space<hbm>> -> memref<100000x64xf32, #tpu.memory_space<hbm>>
      tpu.wait_indirect_dma semaphore(%arg15 : memref<!tpu.dma_semaphore, #tpu.memory_space<semaphore_mem>>) src(%dma_wait3A_58 : memref<100000x64xf32, #tpu.memory_space<hbm>>) dst(%arg11 : memref<256x64xf32, #tpu.memory_space<vmem>>)
      %mul3A_59 = arith.constant 256 : i32
      %mul3A_60 = arith.muli %mul3A_30, %mul3A_59 : i32
      %add3A_61 = arith.addi %mul3A_2, %mul3A_60 : i32
      %dma_start3A_62 = arith.constant 0 : i32
      %dma_start3A_63 = tpu.memref_slice %arg6[%add3A_61, %dma_start3A_62] : memref<819200x128xf32, #tpu.memory_space<hbm>> -> memref<256x64xf32, #tpu.memory_space<hbm>>
      %dma_start3A_64 = arith.constant 0 : i32
      %dma_start3A_65 = tpu.memref_slice %arg6[%add3A_61, %dma_start3A_64] : memref<819200x128xf32, #tpu.memory_space<hbm>> -> memref<256x64xf32, #tpu.memory_space<hbm>>
      tpu.enqueue_dma source(%arg9 : memref<256x64xf32, #tpu.memory_space<vmem>>) target(%dma_start3A_65 : memref<256x64xf32, #tpu.memory_space<hbm>>) target_semaphore(%arg17 : memref<!tpu.dma_semaphore, #tpu.memory_space<semaphore_mem>>)
      %mul3A_66 = arith.constant 256 : i32
      %mul3A_67 = arith.muli %mul3A_30, %mul3A_66 : i32
      %add3A_68 = arith.addi %mul3A_2, %mul3A_67 : i32
      %dma_start3A_69 = arith.constant 64 : i32
      %dma_start3A_70 = tpu.memref_slice %arg6[%add3A_68, %dma_start3A_69] : memref<819200x128xf32, #tpu.memory_space<hbm>> -> memref<256x64xf32, #tpu.memory_space<hbm>>
      %dma_start3A_71 = arith.constant 64 : i32
      %dma_start3A_72 = tpu.memref_slice %arg6[%add3A_68, %dma_start3A_71] : memref<819200x128xf32, #tpu.memory_space<hbm>> -> memref<256x64xf32, #tpu.memory_space<hbm>>
      tpu.enqueue_dma source(%arg11 : memref<256x64xf32, #tpu.memory_space<vmem>>) target(%dma_start3A_72 : memref<256x64xf32, #tpu.memory_space<hbm>>) target_semaphore(%arg19 : memref<!tpu.dma_semaphore, #tpu.memory_space<semaphore_mem>>)
      %mul3A_73 = arith.constant 256 : i32
      %mul3A_74 = arith.muli %mul3A_30, %mul3A_73 : i32
      %add3A_75 = arith.addi %mul3A_2, %mul3A_74 : i32
      %dma_wait3A_76 = arith.constant 0 : i32
      %dma_wait3A_77 = tpu.memref_slice %arg6[%add3A_75, %dma_wait3A_76] : memref<819200x128xf32, #tpu.memory_space<hbm>> -> memref<256x64xf32, #tpu.memory_space<hbm>>
      %dma_wait3A_78 = arith.constant 0 : i32
      %dma_wait3A_79 = tpu.memref_slice %arg6[%add3A_75, %dma_wait3A_78] : memref<819200x128xf32, #tpu.memory_space<hbm>> -> memref<256x64xf32, #tpu.memory_space<hbm>>
      tpu.wait_dma2 semaphore(%arg17 : memref<!tpu.dma_semaphore, #tpu.memory_space<semaphore_mem>>) src(%arg9 : memref<256x64xf32, #tpu.memory_space<vmem>>) dst(%dma_wait3A_79 : memref<256x64xf32, #tpu.memory_space<hbm>>)
      %mul3A_80 = arith.constant 256 : i32
      %mul3A_81 = arith.muli %mul3A_30, %mul3A_80 : i32
      %add3A_82 = arith.addi %mul3A_2, %mul3A_81 : i32
      %dma_wait3A_83 = arith.constant 64 : i32
      %dma_wait3A_84 = tpu.memref_slice %arg6[%add3A_82, %dma_wait3A_83] : memref<819200x128xf32, #tpu.memory_space<hbm>> -> memref<256x64xf32, #tpu.memory_space<hbm>>
      %dma_wait3A_85 = arith.constant 64 : i32
      %dma_wait3A_86 = tpu.memref_slice %arg6[%add3A_82, %dma_wait3A_85] : memref<819200x128xf32, #tpu.memory_space<hbm>> -> memref<256x64xf32, #tpu.memory_space<hbm>>
      tpu.wait_dma2 semaphore(%arg19 : memref<!tpu.dma_semaphore, #tpu.memory_space<semaphore_mem>>) src(%arg11 : memref<256x64xf32, #tpu.memory_space<vmem>>) dst(%dma_wait3A_86 : memref<256x64xf32, #tpu.memory_space<hbm>>)
      %add3A_87 = arith.constant 2 : i32
      %add3A_88 = arith.addi %mul3A_30, %add3A_87 : i32
      %lt3A = arith.constant 100 : i32
      %lt3A_89 = arith.cmpi slt, %add3A_88, %lt3A : i32
      %convert_element_type3A_90 = arith.extui %lt3A_89 : i1 to i32
      %cond3A_91 = arith.constant 0 : i32
      %cond3A_92 = arith.cmpi ne, %convert_element_type3A_90, %cond3A_91 : i32
      scf.if %cond3A_92 {
        %add3A_123 = arith.constant 2 : i32
        %add3A_124 = arith.addi %mul3A_30, %add3A_123 : i32
        %mul3A_125 = arith.constant 256 : i32
        %mul3A_126 = arith.muli %add3A_124, %mul3A_125 : i32
        %dma_start3A_127 = tpu.memref_slice %arg7[%mul3A_126] : memref<25600xi32, #tpu.memory_space<vmem>> -> memref<256xi32, #tpu.memory_space<vmem>>
        %dma_start3A_128 = arith.constant 0 : i32
        %dma_start3A_129 = arith.constant 0 : i32
        %dma_start3A_130 = tpu.memref_slice %arg4[%dma_start3A_128, %dma_start3A_129] : memref<100000x64xf32, #tpu.memory_space<hbm>> -> memref<100000x64xf32, #tpu.memory_space<hbm>>
        tpu.enqueue_indirect_dma source(%dma_start3A_130 : memref<100000x64xf32, #tpu.memory_space<hbm>>) target(%arg9 : memref<256x64xf32, #tpu.memory_space<vmem>>) offsets(%dma_start3A_127 : memref<256xi32, #tpu.memory_space<vmem>>) semaphore(%arg13 : memref<!tpu.dma_semaphore, #tpu.memory_space<semaphore_mem>>)
        %mul3A_131 = arith.constant 256 : i32
        %mul3A_132 = arith.muli %add3A_124, %mul3A_131 : i32
        %dma_start3A_133 = tpu.memref_slice %arg8[%mul3A_132] : memref<25600xi32, #tpu.memory_space<vmem>> -> memref<256xi32, #tpu.memory_space<vmem>>
        %dma_start3A_134 = arith.constant 0 : i32
        %dma_start3A_135 = arith.constant 0 : i32
        %dma_start3A_136 = tpu.memref_slice %arg5[%dma_start3A_134, %dma_start3A_135] : memref<100000x64xf32, #tpu.memory_space<hbm>> -> memref<100000x64xf32, #tpu.memory_space<hbm>>
        tpu.enqueue_indirect_dma source(%dma_start3A_136 : memref<100000x64xf32, #tpu.memory_space<hbm>>) target(%arg11 : memref<256x64xf32, #tpu.memory_space<vmem>>) offsets(%dma_start3A_133 : memref<256xi32, #tpu.memory_space<vmem>>) semaphore(%arg15 : memref<!tpu.dma_semaphore, #tpu.memory_space<semaphore_mem>>)
      } else {
      }
      %add3A_93 = arith.constant 1 : i32
      %add3A_94 = arith.addi %mul3A_30, %add3A_93 : i32
      %mul3A_95 = arith.constant 256 : i32
      %mul3A_96 = arith.muli %add3A_94, %mul3A_95 : i32
      %dma_wait3A_97 = tpu.memref_slice %arg7[%mul3A_96] : memref<25600xi32, #tpu.memory_space<vmem>> -> memref<256xi32, #tpu.memory_space<vmem>>
      %dma_wait3A_98 = arith.constant 0 : i32
      %dma_wait3A_99 = arith.constant 0 : i32
      %dma_wait3A_100 = tpu.memref_slice %arg4[%dma_wait3A_98, %dma_wait3A_99] : memref<100000x64xf32, #tpu.memory_space<hbm>> -> memref<100000x64xf32, #tpu.memory_space<hbm>>
      tpu.wait_indirect_dma semaphore(%arg14 : memref<!tpu.dma_semaphore, #tpu.memory_space<semaphore_mem>>) src(%dma_wait3A_100 : memref<100000x64xf32, #tpu.memory_space<hbm>>) dst(%arg10 : memref<256x64xf32, #tpu.memory_space<vmem>>)
      %mul3A_101 = arith.constant 256 : i32
      %mul3A_102 = arith.muli %add3A_94, %mul3A_101 : i32
      %dma_wait3A_103 = tpu.memref_slice %arg8[%mul3A_102] : memref<25600xi32, #tpu.memory_space<vmem>> -> memref<256xi32, #tpu.memory_space<vmem>>
      %dma_wait3A_104 = arith.constant 0 : i32
      %dma_wait3A_105 = arith.constant 0 : i32
      %dma_wait3A_106 = tpu.memref_slice %arg5[%dma_wait3A_104, %dma_wait3A_105] : memref<100000x64xf32, #tpu.memory_space<hbm>> -> memref<100000x64xf32, #tpu.memory_space<hbm>>
      tpu.wait_indirect_dma semaphore(%arg16 : memref<!tpu.dma_semaphore, #tpu.memory_space<semaphore_mem>>) src(%dma_wait3A_106 : memref<100000x64xf32, #tpu.memory_space<hbm>>) dst(%arg12 : memref<256x64xf32, #tpu.memory_space<vmem>>)
      %add3A_107 = arith.constant 1 : i32
      %add3A_108 = arith.addi %mul3A_30, %add3A_107 : i32
      %mul3A_109 = arith.constant 256 : i32
      %mul3A_110 = arith.muli %add3A_108, %mul3A_109 : i32
      %add3A_111 = arith.addi %mul3A_2, %mul3A_110 : i32
      %dma_start3A_112 = arith.constant 0 : i32
      %dma_start3A_113 = tpu.memref_slice %arg6[%add3A_111, %dma_start3A_112] : memref<819200x128xf32, #tpu.memory_space<hbm>> -> memref<256x64xf32, #tpu.memory_space<hbm>>
      %dma_start3A_114 = arith.constant 0 : i32
      %dma_start3A_115 = tpu.memref_slice %arg6[%add3A_111, %dma_start3A_114] : memref<819200x128xf32, #tpu.memory_space<hbm>> -> memref<256x64xf32, #tpu.memory_space<hbm>>
      tpu.enqueue_dma source(%arg10 : memref<256x64xf32, #tpu.memory_space<vmem>>) target(%dma_start3A_115 : memref<256x64xf32, #tpu.memory_space<hbm>>) target_semaphore(%arg18 : memref<!tpu.dma_semaphore, #tpu.memory_space<semaphore_mem>>)
      %mul3A_116 = arith.constant 256 : i32
      %mul3A_117 = arith.muli %add3A_108, %mul3A_116 : i32
      %add3A_118 = arith.addi %mul3A_2, %mul3A_117 : i32
      %dma_start3A_119 = arith.constant 64 : i32
      %dma_start3A_120 = tpu.memref_slice %arg6[%add3A_118, %dma_start3A_119] : memref<819200x128xf32, #tpu.memory_space<hbm>> -> memref<256x64xf32, #tpu.memory_space<hbm>>
      %dma_start3A_121 = arith.constant 64 : i32
      %dma_start3A_122 = tpu.memref_slice %arg6[%add3A_118, %dma_start3A_121] : memref<819200x128xf32, #tpu.memory_space<hbm>> -> memref<256x64xf32, #tpu.memory_space<hbm>>
      tpu.enqueue_dma source(%arg12 : memref<256x64xf32, #tpu.memory_space<vmem>>) target(%dma_start3A_122 : memref<256x64xf32, #tpu.memory_space<hbm>>) target_semaphore(%arg20 : memref<!tpu.dma_semaphore, #tpu.memory_space<semaphore_mem>>)
    }
    %scan3A_16 = arith.constant 50 : i32
    %add3A_17 = arith.constant 25344 : i32
    %add3A_18 = arith.addi %mul3A_2, %add3A_17 : i32
    %dma_wait3A = arith.constant 0 : i32
    %dma_wait3A_19 = tpu.memref_slice %arg6[%add3A_18, %dma_wait3A] : memref<819200x128xf32, #tpu.memory_space<hbm>> -> memref<256x64xf32, #tpu.memory_space<hbm>>
    %dma_wait3A_20 = arith.constant 0 : i32
    %dma_wait3A_21 = tpu.memref_slice %arg6[%add3A_18, %dma_wait3A_20] : memref<819200x128xf32, #tpu.memory_space<hbm>> -> memref<256x64xf32, #tpu.memory_space<hbm>>
    tpu.wait_dma2 semaphore(%arg18 : memref<!tpu.dma_semaphore, #tpu.memory_space<semaphore_mem>>) src(%arg10 : memref<256x64xf32, #tpu.memory_space<vmem>>) dst(%dma_wait3A_21 : memref<256x64xf32, #tpu.memory_space<hbm>>)
    %add3A_22 = arith.constant 25344 : i32
    %add3A_23 = arith.addi %mul3A_2, %add3A_22 : i32
    %dma_wait3A_24 = arith.constant 64 : i32
    %dma_wait3A_25 = tpu.memref_slice %arg6[%add3A_23, %dma_wait3A_24] : memref<819200x128xf32, #tpu.memory_space<hbm>> -> memref<256x64xf32, #tpu.memory_space<hbm>>
    %dma_wait3A_26 = arith.constant 64 : i32
    %dma_wait3A_27 = tpu.memref_slice %arg6[%add3A_23, %dma_wait3A_26] : memref<819200x128xf32, #tpu.memory_space<hbm>> -> memref<256x64xf32, #tpu.memory_space<hbm>>
    tpu.wait_dma2 semaphore(%arg20 : memref<!tpu.dma_semaphore, #tpu.memory_space<semaphore_mem>>) src(%arg12 : memref<256x64xf32, #tpu.memory_space<vmem>>) dst(%dma_wait3A_27 : memref<256x64xf32, #tpu.memory_space<hbm>>)
    return
  }
}

</mosaic_0001>

<sc_bundles>
// kernel: kernel.3.cloned.1.call-start
scs
__scs_entry_jumppad:
0x0: {  	(pc) =	sbr.rel $0x88, $3  }
0x1: {  	(tag) =	ssettag $0x0;
	lr =	simm.s32 $0x1  }
0x2: {  	[smem:$0x3F9D] =	sst lr;
	_ =	strace $0xD0000000  }
0x3: {  	_ = 	snop  }
0x4: {  	_ = 	snop  }
0x5: {  	_ = 	snop  }
0x6: {  	_ = 	snop  }
0x7: {  	_ = 	snop  }
__scs_overlays_trampoline_lowered:
0x8: {  	[smem:$0x3FAC] =	sst s0  }
0x9: {  	[smem:$0x3FAD] =	sst s1  }
0xa: {  	[smem:$0x3FAE] =	sst s2  }
0xb: {  	[smem:$0x3FAF] =	sst s3  }
0xc: {  	[smem:$0x3FB0] =	sst s4  }
0xd: {  	[smem:$0x3FB1] =	sst s5  }
0xe: {  	[smem:$0x3FB2] =	sst s6  }
0xf: {  	[smem:$0x3FB3] =	sst s7  }
0x10: {  	[smem:$0x3FB4] =	sst s8  }
0x11: {  	[smem:$0x3FB5] =	sst s9;
	s0 =	simm.s32 @!p0 $0x0  }
0x12: {  	s1 =	sld [smem:$0x3F9B];
	s0 =	simm.s32 @p0 $0x1  }
0x13: {  	[smem:$0x3FB6] =	sst s0;
	s0 =	simm.s32 @!p1 $0x0  }
0x14: {  	s2 =	sld [smem:$0x3F9A];
	s0 =	simm.s32 @p1 $0x1  }
0x15: {  	[smem:$0x3FB7] =	sst s0;
	s0 =	simm.s32 @!p2 $0x0  }
0x16: {  	s3 =	sld [smem:$0x3FDB];
	s0 =	simm.s32 @p2 $0x1  }
0x17: {  	s4 =	simm.s32 $0x1BF5;
	[smem:$0x3FB9] =	sst s0  }
0x18: {  	s0 =	sld [smem:$0x3F9C];
	_ =	swait.ge [sflag:s4], $0x0  }
0x19: {  	s7 =	sld [smem:$0x3F9D]  }
0x1a: {  	s8 =	sadd.s32 $0xFFFFE003, lr  }
0x1b: {  	s9 =	sadd.s32 $0xFFFFFEF7, lr;
	s5 =	simm.s32 $0xFFFFFFFF;
	p2 =	slt.u32 s8, $0xFFFFF086  }
0x1c: {  	p1 =	slt.u32 s9, $0xF7A;
	s5 =	simm.s32 @!p2 $0x0  }
0x1d: {  	s5 =	simm.s32 @p1 $0x1;
	p0 =	seq.s32 s7, s2  }
0x1e: {  	s7 =	smul.u32 @!p0 $0xF7A, s2;
	p2 =	seq.s32 @!p0 s5, $0x0  }
0x1f: {  	s9 =	smul.u32 $0xF7A, s1;
	s8 =	simm.s32 @!p0 $0x1BF5;
	p2 =	por !p2, p0  }
0x20: {  	[sflag:s8] =	ssyncset.s32 @!p0 $0xFFFFF086;
	s6 =	sadd.s32 @!p0 s3, s7;
	s7 =	simm.s32 @!p0 $0x108  }
0x21: {  	s3 =	sadd.s32 s3, s9;
	s6 =	sadd.s32 @!p0 $0x88, s6;
	s7 =	simm.s32 @p2 $0x1082  }
0x22: {  	[simem:s7], [sflag:s8] =	dma.local @!p0 [hbm:s6], $0xF7A  }
0x23: {  	s9 =	sor.u32 $0xD0000000, s2;
	s6 =	simm.s32 $0x108;
	_ =	swait.ge @!p0 [sflag:s8], $0x0  }
0x24: {  	s3 =	sadd.s32 $0x88, s3;
	s6 =	simm.s32 @!p1 $0x1082;
	[sflag:s4] =	ssyncset.s32 $0xFFFFF086  }
0x25: {  	[simem:s6], [sflag:s4] =	dma.local [hbm:s3], $0xF7A  }
0x26: {  	[smem:$0x3F9D] =	sst s1;
	(tag) =	ssettag s2;
	_ =	strace s9  }
0x27: {  	s1 =	sld [smem:$0x3FAD]  }
0x28: {  	s2 =	sld [smem:$0x3FAE]  }
0x29: {  	s4 =	sld [smem:$0x3FB0]  }
0x2a: {  	p0 =	seq.s32 s5, $0x0;
	s5 =	sld [smem:$0x3FB1]  }
0x2b: {  	s6 =	sld [smem:$0x3FB2]  }
0x2c: {  	s7 =	sld [smem:$0x3FB3]  }
0x2d: {  	s3 =	simm.s32 $0x108;
	s8 =	sld [smem:$0x3FB4]  }
0x2e: {  	s3 =	simm.s32 @!p0 $0x1082;
	s9 =	sld [smem:$0x3FB5]  }
0x2f: {  	lr =	sadd.s32 s0, s3;
	s0 =	sld [smem:$0x3FAC]  }
0x30: {  	s3 =	sld [smem:$0x3FAF]  }
0x31: {  	[smem:$0x3FB8] =	sst s10  }
0x32: {  	s10 =	sld [smem:$0x3FB6];
	_ =	sdelay $0x3  }
0x33: {  	p0 =	seq.s32 s10, $0x1;
	s10 =	sld [smem:$0x3FB8];
	_ =	sdelay $0x3  }
0x34: {  	[smem:$0x3FB8] =	sst s10  }
0x35: {  	s10 =	sld [smem:$0x3FB7];
	_ =	sdelay $0x3  }
0x36: {  	p1 =	seq.s32 s10, $0x1;
	s10 =	sld [smem:$0x3FB8];
	_ =	sdelay $0x3  }
0x37: {  	[smem:$0x3FB8] =	sst s10  }
0x38: {  	s10 =	sld [smem:$0x3FB9]  }
0x39: {  	_ = 	snop;
	(pc) =	sbr.ind lr, $3  }
0x3a: {  	_ = 	snop  }
0x3b: {  	_ = 	snop  }
0x3c: {  	p2 =	seq.s32 s10, $0x1;
	s10 =	sld [smem:$0x3FB8]  }
0x3d: {  	_ =	shalt  }
0x3e: {  	_ =	shalt  }
0x3f: {  	_ =	shalt  }
0x40: {  	_ =	shalt  }
0x41: {  	_ =	shalt  }
0x42: {  	_ =	shalt  }
0x43: {  	_ =	shalt  }
0x44: {  	_ =	shalt  }
0x45: {  	_ =	shalt  }
0x46: {  	_ =	shalt  }
0x47: {  	_ =	shalt  }
0x48: {  	_ =	shalt  }
0x49: {  	_ =	shalt  }
0x4a: {  	_ =	shalt  }
0x4b: {  	_ =	shalt  }
0x4c: {  	_ =	shalt  }
0x4d: {  	_ =	shalt  }
0x4e: {  	_ =	shalt  }
0x4f: {  	_ =	shalt  }
0x50: {  	_ =	shalt  }
0x51: {  	_ =	shalt  }
0x52: {  	_ =	shalt  }
0x53: {  	_ =	shalt  }
0x54: {  	_ =	shalt  }
0x55: {  	_ =	shalt  }
0x56: {  	_ =	shalt  }
0x57: {  	_ =	shalt  }
0x58: {  	_ =	shalt  }
0x59: {  	_ =	shalt  }
0x5a: {  	_ =	shalt  }
0x5b: {  	_ =	shalt  }
0x5c: {  	_ =	shalt  }
0x5d: {  	_ =	shalt  }
0x5e: {  	_ =	shalt  }
0x5f: {  	_ =	shalt  }
0x60: {  	_ =	shalt  }
0x61: {  	_ =	shalt  }
0x62: {  	_ =	shalt  }
0x63: {  	_ =	shalt  }
0x64: {  	_ =	shalt  }
0x65: {  	_ =	shalt  }
0x66: {  	_ =	shalt  }
0x67: {  	_ =	shalt  }
0x68: {  	_ =	shalt  }
0x69: {  	_ =	shalt  }
0x6a: {  	_ =	shalt  }
0x6b: {  	_ =	shalt  }
0x6c: {  	_ =	shalt  }
0x6d: {  	_ =	shalt  }
0x6e: {  	_ =	shalt  }
0x6f: {  	_ =	shalt  }
0x70: {  	_ =	shalt  }
0x71: {  	_ =	shalt  }
0x72: {  	_ =	shalt  }
0x73: {  	_ =	shalt  }
0x74: {  	_ =	shalt  }
0x75: {  	_ =	shalt  }
0x76: {  	_ =	shalt  }
0x77: {  	_ =	shalt  }
0x78: {  	_ =	shalt  }
0x79: {  	_ =	shalt  }
0x7a: {  	_ =	shalt  }
0x7b: {  	_ =	shalt  }
0x7c: {  	_ =	shalt  }
0x7d: {  	_ =	shalt  }
0x7e: {  	_ =	shalt  }
0x7f: {  	_ =	shalt  }
0x80: {  	_ =	shalt  }
0x81: {  	_ =	shalt  }
0x82: {  	_ =	shalt  }
0x83: {  	_ =	shalt  }
0x84: {  	_ =	shalt  }
0x85: {  	_ =	shalt  }
0x86: {  	_ =	shalt  }
0x87: {  	_ =	shalt  }
.Lfunc_end0:
.L_simem_size_0:
called_computation_lowered:
.L_overlay_start_0:
0x88: {  	s2 =	sld [smem:$0x3FD9]  }
0x89: {  	s3 =	sld [smem:$0x3FFE];
	_ =	sdelay $0x1  }
0x8a: {  	s1 =	srdreg.scid  }
0x8b: {  	s0 =	sand.u32 $0x1, s1  }
0x8c: {  	s17 =	sshll.u32 s0, $0xA;
	s2 =	sadd.s32 s3, s2  }
0x8d: {  	s2 =	sadd.s32 s2, s17  }
0x8e: {  	[smem:$0x3FC4] =	sst s2  }
0x8f: {  	_ = 	snop  }
0x90: {  	s2 =	sld [smem:$0x3FD0];
	(tm) =	ssettm $0x1  }
0x91: {  	s18 =	sld [smem:$0x3FFB];
	_ =	sdelay $0x3  }
0x92: {  	_ =	strace s18  }
0x93: {  	s3 =	sld [smem:$0x3FFC];
	_ =	sdelay $0x3  }
0x94: {  	_ =	strace s3  }
0x95: {  	s3 =	sld [smem:$0x3FFD];
	_ =	sdelay $0x3  }
0x96: {  	_ =	strace s3  }
0x97: {  	_ =	strace $0x8FFFFFFF  }
0x98: {  	s19 =	sld [smem:$0x3FDB];
	_ =	sdelay $0x1  }
0x99: {  	s4 =	simm.s32 $_scs_section_size  }
0x9a: {  	s5 =	simm.s32 $_size__tile_overlayer_lowered;
	s6 =	simm.s32 $_tile_overlayer_lowered  }
0x9b: {  	s22 =	simm.s32 $0x1BFF;
	s21 =	sshll.u32 s6, $0x1;
	s3 =	sadd.s32 s4, s19  }
0x9c: {  	s7 =	simm.s32 $0x0;
	s20 =	sshll.u32 s5, $0x1;
	s5 =	sadd.s32 s21, s3  }
0x9d: {  	[timem:s7], [sflag:s22] =	dma.local [hbm:s5], s20  }
0x9e: {  	_ =	swait.ge [sflag:s22], s20  }
0x9f: {  	s4 =	ssub.s32 $0x0, s20;
	[sflag:s22] =	ssyncset.done $0x0  }
0xa0: {  	[sflag:s22] =	ssyncadd.s32 s4;
	_ =	sdelay $0x1  }
0xa1: {  	s23 =	simm.s32 $0x1B8B  }
0xa2: {  	_ =	swait.ge [sflag:s23], $0x1  }
0xa3: {  	[sflag:s23] =	ssyncset.done $0x0  }
0xa4: {  	s25 =	simm.s32 $0x1B8E;
	s24 =	sld [smem:$0x3FFE];
	[sflag:s23] =	ssyncadd.s32 $0xFFFFFFFF  }
0xa5: {  	s26 =	simm.s32 $execute0_lowered;
	[smem:$0x3FD2] =	sst s25  }
0xa6: {  	s5 =	sshll.u32 s26, $0x1;
	_ =	strace $0x80000046;
	[dreg:$0x1] =	wrdreg $0xFFFFFFFF  }
0xa7: {  	s28 =	simm.s32 $_size_execute0_lowered;
	s3 =	sadd.s32 s3, s5;
	[dreg:$0x0] =	wrdreg $0x0  }
0xa8: {  	s5 =	sshll.u32 s28, $0x1;
	[dreg:$0x2] =	wrdreg s3  }
0xa9: {  	[dreg:$0x3] =	wrdreg s5  }
0xaa: {  	[dreg:$0x4] =	wrdreg $0xC0  }
0xab: {  	_ =	task [dreg:s7], $0x5FFFF  }
0xac: {  	[dreg:$0x1] =	wrdreg $0xFFFFFFFF  }
0xad: {  	[dreg:$0x0] =	wrdreg $0x60  }
0xae: {  	[dreg:$0x2] =	wrdreg s24  }
0xaf: {  	[dreg:$0x3] =	wrdreg s2  }
0xb0: {  	[dreg:$0x4] =	wrdreg $0x9  }
0xb1: {  	_ =	task.clear_ibuf [dreg:s7], $0x5FFFF;
	_ =	strace $0x90000046  }
0xb2: {  	s29 =	simm.s32 $0x9;
	_ =	strace $0x80000048  }
0xb3: {  	_ =	swait.ge [sflag:s29], $0x1  }
0xb4: {  	[sflag:s29] =	ssyncadd.s32 $0xFFFFFFFF  }
0xb5: {  	_ =	strace $0x90000048  }
0xb6: {  	_ =	sfence  }
0xb7: {  	s30 =	sld [smem:$0x0];
	_ =	sdelay $0x2  }
0xb8: {  	s31 =	sshll.u32 s1, $0xD;
	s1 =	sshrl.u32 s1, $0x2  }
0xb9: {  	s3 =	sand.u32 $0x4000, s31;
	s1 =	sadd.s32 s1, s30  }
0xba: {  	s0 =	sor.u32 s3, s0;
	s1 =	sshll.u32 s1, $0x11  }
0xbb: {  	s0 =	sor.u32 s1, s0  }
0xbc: {  	s0 =	sadd.s32 $0x8F2B, s0  }
0xbd: {  	[sflag:s0] =	ssyncadd.remote.s32 $0x1  }
0xbe: {  	_ =	sfence.sel $0xFFFF  }
0xbf: {  	[dreg:$0x0] =	wrdreg $0xFFFFFFFF;
	(pc) =	sbr.abs _section_cstart, $3  }
0xc0: {  	[dreg:$0x1] =	wrdreg $0xFFFFFFFF  }
0xc1: {  	_ =	task.clear_ibuf [dreg:s7], $0x2FFFF;
	_ =	strace $0x9FFFFFFF  }
0xc2: {  	(tm) =	ssettm $0x7FFFFFFF  }
0xc3: {  	_ =	shalt  }
tec
execute0_lowered:
.L_overlay_start_1:
0x0: {  	(tag) =	ssettag $0x1  }
0x1: {  	s0 =	srdreg.scid  }
0x2: {  	s11 =	stileid.u32;
	s1 =	rddreg [dreg:$0x0]  }
0x3: {  	s5 =	rddreg [dreg:$0x1];
	s28 =	simm.s32 $0x3;
	s22 =	smul.u32 $0x640000, s11  }
0x4: {  	s29 =	simm.s32 $0x40;
	s0 =	sand.u32 $0x1, s0;
	s25 =	smul.u32 $0xC8000, s11  }
0x5: {  	s30 =	simm.s32 $0x80;
	s2 =	sshll.u32 s11, $0x1;
	s10 =	smul.u32 $0x320000, s0  }
0x6: {  	s6 =	sor.u32 s0, s2;
	s8 =	ssub.s32 $0x2, s0;
	s0 =	smul.u32 $0x64000, s0  }
0x7: {  	s31 =	simm.s32 $0x5;
	s4 =	sadd.s32 $0xF5C00, s1;
	s3 =	smul.u32 $0x6400, s6  }
0x8: {  	s19 =	sadd.s32 $0x8, s5;
	s2 =	simm.s32 $0x0;
	s9 =	smul.u32 $0x320000, s6  }
0x9: {  	[smem:$0x7FF] =	sst s2;
	s17 =	sshrl.u32 s8, $0x1;
	s6 =	smul.u32 $0x64000, s6  }
0xa: {  	s26 =	sadd.s32 s25, s5;
	s25 =	simm.s32 $0x18800;
	_ =	strace $0x80000047  }
0xb: {  	s3 =	sshrl.u32 s3, $0x3;
	s20 =	sshrl.u32 s9, $0x3;
	s23 =	sor.u32 $0x1000, s6  }
0xc: {  	s6 =	sadd.s32 $0x63000, s6;
	s7 =	sadd.s32 s3, s1;
	s3 =	sadd.s32 $0x32600, s1  }
0xd: {  	s1 =	ssub.s32 s8, s17;
	s21 =	sadd.s32 s5, s20;
	s9 =	sadd.s32 s20, s19  }
0xe: {  	s12 =	sadd.s32 s5, s23;
	s8 =	sadd.s32 $0x62000, s20;
	s14 =	sadd.s32 s5, s6  }
0xf: {  	s15 =	sadd.s32 s6, s19;
	s17 =	sadd.s32 s0, s26;
	[dreg:$0x6] =	wrdreg s21  }
0x10: {  	s20 =	simm.s32 $0x100;
	s26 =	simm.s32 $0x1;
	[dreg:$0x7] =	wrdreg s9  }
0x11: {  	s0 =	simm.s32 $0x2;
	s18 =	sadd.s32 $0x600, s7;
	[dreg:$0x8] =	wrdreg s12  }
0x12: {  	s6 =	simm.s32 $0x8;
	s7 =	sadd.s32 $0x19600, s7;
	[dreg:$0x3] =	wrdreg s18  }
0x13: {  	s1 =	smax.u32 s1, $0x1;
	s9 =	sadd.s32 s23, s19;
	[dreg:$0x4] =	wrdreg s7  }
0x14: {  	s24 =	sadd.s32 s5, s8;
	s13 =	sadd.s32 s8, s19;
	[dreg:$0x5] =	wrdreg s1  }
0x15: {  	s19 =	simm.s32 $0x6400;
	s21 =	simm.s32 $0xC800;
	[dreg:$0x9] =	wrdreg s9  }
0x16: {  	s23 =	simm.s32 $0x10800;
	[dreg:$0xa] =	wrdreg s24;
	s1 =	sadd.s32 s10, s22  }
0x17: {  	s18 =	simm.s32 $0x9;
	s22 =	simm.s32 $0x14800;
	s1 =	sor.u32 $0x10000, s1  }
0x18: {  	s24 =	simm.s32 $0x4;
	s7 =	simm.s32 $0x0;
	s1 =	sshrl.u32 s1, $0x3  }
0x19: {  	s16 =	sadd.s32 s1, s5;
	s1 =	simm.s32 $0x7;
	s5 =	simm.s32 $0x6  }
.LBB2_1:
0x1a: {  	s8 =	rddreg [dreg:$0x3]  }
0x1b: {  	[tilespmem:s2], [sflag:$0x9] =	stream.linear.gather [hbm4b:s8+s2], $0x6400, $0x38;
	[tilespmem:$0x1C800] =	vst v63  }
0x1c: {  	_ =	swait.ge [sflag:s18], $0x6400  }
0x1d: {  	[sflag:s18] =	ssyncset.done $0x0  }
0x1e: {  	s11 =	rddreg [dreg:$0x4];
	[sflag:s18] =	ssyncadd.s32 $0xFFFF9C00  }
0x1f: {  	[tilespmem:s19], [sflag:$0x9] =	stream.linear.gather [hbm4b:s11+s2], $0x6400, $0x38;
	[tilespmem:$0x1C800] =	vst v63  }
0x20: {  	_ =	swait.ge [sflag:s18], $0x6400  }
0x21: {  	[sflag:s18] =	ssyncset.done $0x0  }
0x22: {  	[sflag:s18] =	ssyncadd.s32 $0xFFFF9C00  }
0x23: {  	[tilespmem:s21], [sflag:$0x1] =	stream.indirect.gather [hbm4b:s3+s20], $0x40, s2, s20, $0xb8;
	[tilespmem:$0x1C800] =	vst v63  }
0x24: {  	_ = 	snop  }
0x25: {  	[tilespmem:s22], [sflag:$0x3] =	stream.indirect.gather [hbm4b:s4+s20], $0x40, s19, s20, $0xb8;
	[tilespmem:$0x1C800] =	vst v63  }
0x26: {  	_ = 	snop  }
0x27: {  	[tilespmem:s23], [sflag:$0x2] =	stream.indirect.gather [hbm4b:s3+s20], $0x40, s20, s20, $0xb8;
	[tilespmem:$0x1C800] =	vst v63  }
0x28: {  	s12 =	simm.s32 $0x6500  }
0x29: {  	[tilespmem:s25], [sflag:$0x4] =	stream.indirect.gather [hbm4b:s4+s20], $0x40, s12, s20, $0xb8;
	[tilespmem:$0x1C800] =	vst v63  }
0x2a: {  	_ =	swait.ge [sflag:s26], $0x4000  }
0x2b: {  	[sflag:s26] =	ssyncset.done $0x0  }
0x2c: {  	[sflag:s26] =	ssyncadd.s32 $0xFFFFC000  }
0x2d: {  	_ =	swait.ge [sflag:s28], $0x4000  }
0x2e: {  	[sflag:s28] =	ssyncset.done $0x0  }
0x2f: {  	s9 =	rddreg [dreg:$0x6];
	[sflag:s28] =	ssyncadd.s32 $0xFFFFC000  }
0x30: {  	[hbm4b:s9+s29] =	stream.strided.scatter [tilespmem:s21], [sflag:$0x5], $0x4000, s30, s29, $0x38;
	[tilespmem:$0x1C800] =	vst v63  }
0x31: {  	s10 =	rddreg [dreg:$0x7]  }
0x32: {  	[hbm4b:s10+s29] =	stream.strided.scatter [tilespmem:s22], [sflag:$0x7], $0x4000, s30, s29, $0x38;
	[tilespmem:$0x1C800] =	vst v63  }
0x33: {  	_ =	swait.ge [sflag:s31], $0x4000  }
0x34: {  	[sflag:s31] =	ssyncset.done $0x0  }
0x35: {  	[sflag:s31] =	ssyncadd.s32 $0xFFFFC000  }
0x36: {  	_ =	swait.ge [sflag:s1], $0x4000  }
0x37: {  	[sflag:s1] =	ssyncset.done $0x0  }
0x38: {  	s11 =	simm.s32 $0x200;
	[sflag:s1] =	ssyncadd.s32 $0xFFFFC000  }
0x39: {  	[tilespmem:s21], [sflag:$0x1] =	stream.indirect.gather [hbm4b:s3+s20], $0x40, s11, s20, $0xb8;
	[tilespmem:$0x1C800] =	vst v63  }
0x3a: {  	s12 =	simm.s32 $0x6600  }
0x3b: {  	[tilespmem:s22], [sflag:$0x3] =	stream.indirect.gather [hbm4b:s4+s20], $0x40, s12, s20, $0xb8;
	[tilespmem:$0x1C800] =	vst v63  }
0x3c: {  	_ =	swait.ge [sflag:s0], $0x4000  }
0x3d: {  	[sflag:s0] =	ssyncset.done $0x0  }
0x3e: {  	[sflag:s0] =	ssyncadd.s32 $0xFFFFC000  }
0x3f: {  	_ =	swait.ge [sflag:s24], $0x4000  }
0x40: {  	[sflag:s24] =	ssyncset.done $0x0  }
0x41: {  	s9 =	rddreg [dreg:$0x8];
	[sflag:s24] =	ssyncadd.s32 $0xFFFFC000  }
0x42: {  	[hbm4b:s9+s29] =	stream.strided.scatter [tilespmem:s23], [sflag:$0x6], $0x4000, s30, s29, $0x38;
	[tilespmem:$0x1C800] =	vst v63  }
0x43: {  	s10 =	rddreg [dreg:$0x9]  }
0x44: {  	[hbm4b:s10+s29] =	stream.strided.scatter [tilespmem:s25], [sflag:$0x8], $0x4000, s30, s29, $0x38;
	[tilespmem:$0x1C800] =	vst v63  }
0x45: {  	_ =	swait.ge [sflag:s5], $0x4000  }
0x46: {  	[sflag:s5] =	ssyncset.done $0x0  }
0x47: {  	[sflag:s5] =	ssyncadd.s32 $0xFFFFC000  }
0x48: {  	_ =	swait.ge [sflag:s6], $0x4000  }
0x49: {  	[sflag:s6] =	ssyncset.done $0x0  }
0x4a: {  	s11 =	simm.s32 $0x300;
	[sflag:s6] =	ssyncadd.s32 $0xFFFFC000  }
0x4b: {  	[tilespmem:s23], [sflag:$0x2] =	stream.indirect.gather [hbm4b:s3+s20], $0x40, s11, s20, $0xb8;
	[tilespmem:$0x1C800] =	vst v63  }
0x4c: {  	s12 =	simm.s32 $0x6700  }
0x4d: {  	[tilespmem:s25], [sflag:$0x4] =	stream.indirect.gather [hbm4b:s4+s20], $0x40, s12, s20, $0xb8;
	[tilespmem:$0x1C800] =	vst v63  }
0x4e: {  	_ =	swait.ge [sflag:s26], $0x4000  }
0x4f: {  	[sflag:s26] =	ssyncset.done $0x0  }
0x50: {  	[sflag:s26] =	ssyncadd.s32 $0xFFFFC000  }
0x51: {  	_ =	swait.ge [sflag:s28], $0x4000  }
0x52: {  	[sflag:s28] =	ssyncset.done $0x0  }
0x53: {  	s9 =	sadd.s32 $0x0, s16;
	[sflag:s28] =	ssyncadd.s32 $0xFFFFC000  }
0x54: {  	[hbm4b:s9+s29] =	stream.strided.scatter [tilespmem:s21], [sflag:$0x5], $0x4000, s30, s29, $0x38;
	[tilespmem:$0x1C800] =	vst v63  }
0x55: {  	s8 =	sadd.s32 $0x8, s9  }
0x56: {  	[hbm4b:s8+s29] =	stream.strided.scatter [tilespmem:s22], [sflag:$0x7], $0x4000, s30, s29, $0x38;
	[tilespmem:$0x1C800] =	vst v63  }
0x57: {  	_ =	swait.ge [sflag:s31], $0x4000  }
0x58: {  	[sflag:s31] =	ssyncset.done $0x0  }
0x59: {  	[sflag:s31] =	ssyncadd.s32 $0xFFFFC000  }
0x5a: {  	_ =	swait.ge [sflag:s1], $0x4000  }
0x5b: {  	[sflag:s1] =	ssyncset.done $0x0  }
0x5c: {  	s10 =	simm.s32 $0x400;
	[sflag:s1] =	ssyncadd.s32 $0xFFFFC000  }
0x5d: {  	[tilespmem:s21], [sflag:$0x1] =	stream.indirect.gather [hbm4b:s3+s20], $0x40, s10, s20, $0xb8;
	[tilespmem:$0x1C800] =	vst v63  }
0x5e: {  	s11 =	simm.s32 $0x6800  }
0x5f: {  	[tilespmem:s22], [sflag:$0x3] =	stream.indirect.gather [hbm4b:s4+s20], $0x40, s11, s20, $0xb8;
	[tilespmem:$0x1C800] =	vst v63  }
0x60: {  	_ =	swait.ge [sflag:s0], $0x4000  }
0x61: {  	[sflag:s0] =	ssyncset.done $0x0  }
0x62: {  	s9 =	sadd.s32 $0x0, s17;
	[sflag:s0] =	ssyncadd.s32 $0xFFFFC000  }
0x63: {  	s12 =	sadd.s32 $0x3000, s9;
	_ =	swait.ge [sflag:s24], $0x4000  }
0x64: {  	s8 =	simm.s32 $0x2000;
	s10 =	simm.s32 $0x6900;
	[sflag:s24] =	ssyncset.done $0x0  }
0x65: {  	s11 =	sadd.s32 $0x3008, s9;
	s9 =	simm.s32 $0x500;
	[sflag:s24] =	ssyncadd.s32 $0xFFFFC000  }
0x66: {  	[hbm4b:s12+s29] =	stream.strided.scatter [tilespmem:s23], [sflag:$0x6], $0x4000, s30, s29, $0x38;
	[tilespmem:$0x1C800] =	vst v63  }
.LBB2_2:
0x67: {  	[hbm4b:s11+s29] =	stream.strided.scatter [tilespmem:s25], [sflag:$0x8], $0x4000, s30, s29, $0x38;
	[tilespmem:$0x1C800] =	vst v63  }
0x68: {  	s11 =	smov.u32 s8  }
0x69: {  	p0 =	sne.s32 s8, $0x5E000;
	s8 =	sadd.s32 $0x2000, s8;
	_ =	swait.ge [sflag:s5], $0x4000  }
0x6a: {  	[sflag:s5] =	ssyncset.done $0x0  }
0x6b: {  	[sflag:s5] =	ssyncadd.s32 $0xFFFFC000  }
0x6c: {  	_ =	swait.ge [sflag:s6], $0x4000  }
0x6d: {  	[sflag:s6] =	ssyncset.done $0x0  }
0x6e: {  	[sflag:s6] =	ssyncadd.s32 $0xFFFFC000  }
0x6f: {  	[tilespmem:s23], [sflag:$0x2] =	stream.indirect.gather [hbm4b:s3+s20], $0x40, s9, s20, $0xb8;
	[tilespmem:$0x1C800] =	vst v63  }
0x70: {  	_ = 	snop  }
0x71: {  	[tilespmem:s25], [sflag:$0x4] =	stream.indirect.gather [hbm4b:s4+s20], $0x40, s10, s20, $0xb8;
	[tilespmem:$0x1C800] =	vst v63  }
0x72: {  	_ =	swait.ge [sflag:s26], $0x4000  }
0x73: {  	[sflag:s26] =	ssyncset.done $0x0  }
0x74: {  	[sflag:s26] =	ssyncadd.s32 $0xFFFFC000  }
0x75: {  	_ =	swait.ge [sflag:s28], $0x4000  }
0x76: {  	[sflag:s28] =	ssyncset.done $0x0  }
0x77: {  	s12 =	sadd.s32 s11, s16;
	[sflag:s28] =	ssyncadd.s32 $0xFFFFC000  }
0x78: {  	[hbm4b:s12+s29] =	stream.strided.scatter [tilespmem:s21], [sflag:$0x5], $0x4000, s30, s29, $0x38;
	[tilespmem:$0x1C800] =	vst v63  }
0x79: {  	s12 =	sadd.s32 $0x8, s12  }
0x7a: {  	[hbm4b:s12+s29] =	stream.strided.scatter [tilespmem:s22], [sflag:$0x7], $0x4000, s30, s29, $0x38;
	[tilespmem:$0x1C800] =	vst v63  }
0x7b: {  	_ =	swait.ge [sflag:s31], $0x4000  }
0x7c: {  	[sflag:s31] =	ssyncset.done $0x0  }
0x7d: {  	[sflag:s31] =	ssyncadd.s32 $0xFFFFC000  }
0x7e: {  	_ =	swait.ge [sflag:s1], $0x4000  }
0x7f: {  	[sflag:s1] =	ssyncset.done $0x0  }
0x80: {  	s12 =	sadd.s32 $0x100, s9;
	[sflag:s1] =	ssyncadd.s32 $0xFFFFC000  }
0x81: {  	[tilespmem:s21], [sflag:$0x1] =	stream.indirect.gather [hbm4b:s3+s20], $0x40, s12, s20, $0xb8;
	[tilespmem:$0x1C800] =	vst v63  }
0x82: {  	s12 =	sadd.s32 $0x100, s10  }
0x83: {  	[tilespmem:s22], [sflag:$0x3] =	stream.indirect.gather [hbm4b:s4+s20], $0x40, s12, s20, $0xb8;
	[tilespmem:$0x1C800] =	vst v63  }
0x84: {  	_ =	swait.ge [sflag:s0], $0x4000  }
0x85: {  	[sflag:s0] =	ssyncset.done $0x0  }
0x86: {  	[sflag:s0] =	ssyncadd.s32 $0xFFFFC000  }
.Ltmp0:
0x87: {  	_ =	swait.ge [sflag:s24], $0x4000;
	(pc) =	sbr.rel @p0 .LBB2_2-.Ltmp0, $4  }
0x88: {  	s11 =	sadd.s32 s11, s17;
	[sflag:s24] =	ssyncset.done $0x0  }
0x89: {  	s12 =	sadd.s32 $0x3000, s11;
	[sflag:s24] =	ssyncadd.s32 $0xFFFFC000  }
0x8a: {  	[hbm4b:s12+s29] =	stream.strided.scatter [tilespmem:s23], [sflag:$0x6], $0x4000, s30, s29, $0x38;
	[tilespmem:$0x1C800] =	vst v63  }
0x8b: {  	s9 =	sadd.s32 $0x200, s9;
	s10 =	sadd.s32 $0x200, s10;
	s11 =	sadd.s32 $0x3008, s11  }
0x8c: {  	[hbm4b:s11+s29] =	stream.strided.scatter [tilespmem:s25], [sflag:$0x8], $0x4000, s30, s29, $0x38;
	[tilespmem:$0x1C800] =	vst v63  }
0x8d: {  	_ =	swait.ge [sflag:s5], $0x4000  }
0x8e: {  	[sflag:s5] =	ssyncset.done $0x0  }
0x8f: {  	[sflag:s5] =	ssyncadd.s32 $0xFFFFC000  }
0x90: {  	_ =	swait.ge [sflag:s6], $0x4000  }
0x91: {  	[sflag:s6] =	ssyncset.done $0x0  }
0x92: {  	s8 =	simm.s32 $0x6300;
	[sflag:s6] =	ssyncadd.s32 $0xFFFFC000  }
0x93: {  	[tilespmem:s23], [sflag:$0x2] =	stream.indirect.gather [hbm4b:s3+s20], $0x40, s8, s20, $0xb8;
	[tilespmem:$0x1C800] =	vst v63  }
0x94: {  	s10 =	simm.s32 $0xC700  }
0x95: {  	[tilespmem:s25], [sflag:$0x4] =	stream.indirect.gather [hbm4b:s4+s20], $0x40, s10, s20, $0xb8;
	[tilespmem:$0x1C800] =	vst v63  }
0x96: {  	_ =	swait.ge [sflag:s26], $0x4000  }
0x97: {  	[sflag:s26] =	ssyncset.done $0x0  }
0x98: {  	[sflag:s26] =	ssyncadd.s32 $0xFFFFC000  }
0x99: {  	_ =	swait.ge [sflag:s28], $0x4000  }
0x9a: {  	[sflag:s28] =	ssyncset.done $0x0  }
0x9b: {  	s11 =	rddreg [dreg:$0xa];
	[sflag:s28] =	ssyncadd.s32 $0xFFFFC000  }
0x9c: {  	[hbm4b:s11+s29] =	stream.strided.scatter [tilespmem:s21], [sflag:$0x5], $0x4000, s30, s29, $0x38;
	[tilespmem:$0x1C800] =	vst v63  }
0x9d: {  	_ = 	snop  }
0x9e: {  	[hbm4b:s13+s29] =	stream.strided.scatter [tilespmem:s22], [sflag:$0x7], $0x4000, s30, s29, $0x38;
	[tilespmem:$0x1C800] =	vst v63  }
0x9f: {  	_ =	swait.ge [sflag:s31], $0x4000  }
0xa0: {  	[sflag:s31] =	ssyncset.done $0x0  }
0xa1: {  	[sflag:s31] =	ssyncadd.s32 $0xFFFFC000  }
0xa2: {  	_ =	swait.ge [sflag:s1], $0x4000  }
0xa3: {  	[sflag:s1] =	ssyncset.done $0x0  }
0xa4: {  	[sflag:s1] =	ssyncadd.s32 $0xFFFFC000  }
0xa5: {  	_ =	swait.ge [sflag:s0], $0x4000  }
0xa6: {  	[sflag:s0] =	ssyncset.done $0x0  }
0xa7: {  	[sflag:s0] =	ssyncadd.s32 $0xFFFFC000  }
0xa8: {  	_ =	swait.ge [sflag:s24], $0x4000  }
0xa9: {  	[sflag:s24] =	ssyncset.done $0x0  }
0xaa: {  	[sflag:s24] =	ssyncadd.s32 $0xFFFFC000  }
0xab: {  	[hbm4b:s14+s29] =	stream.strided.scatter [tilespmem:s23], [sflag:$0x6], $0x4000, s30, s29, $0x38;
	[tilespmem:$0x1C800] =	vst v63  }
0xac: {  	_ = 	snop  }
0xad: {  	[hbm4b:s15+s29] =	stream.strided.scatter [tilespmem:s25], [sflag:$0x8], $0x4000, s30, s29, $0x38;
	[tilespmem:$0x1C800] =	vst v63  }
0xae: {  	_ =	swait.ge [sflag:s5], $0x4000  }
0xaf: {  	[sflag:s5] =	ssyncset.done $0x0  }
0xb0: {  	[sflag:s5] =	ssyncadd.s32 $0xFFFFC000  }
0xb1: {  	_ =	swait.ge [sflag:s6], $0x4000  }
0xb2: {  	s7 =	sadd.s32 $0x1, s7;
	s12 =	rddreg [dreg:$0x5]  }
0xb3: {  	p0 =	sne.s32 s7, s12  }
.Ltmp1:
0xb4: {  	_ = 	snop;
	(pc) =	sbr.rel @p0 .LBB2_1-.Ltmp1, $3  }
0xb5: {  	_ =	sdelay $0x1  }
0xb6: {  	[sflag:s6] =	ssyncset.done $0x0  }
0xb7: {  	[sflag:s6] =	ssyncadd.s32 $0xFFFFC000  }
0xb8: {  	_ =	sfence.sel $0x180000  }
0xb9: {  	[bflag:$0x0] =	sbarrier.arrive $0xFFFF  }
0xba: {  	_ =	strace $0x90000047  }
0xbb: {  	s0 =	stileid.u32;
	[bflag:$0x2] =	sbarrier.arrive $0xFFFF  }
0xbc: {  	p0 =	sne.s32 s0, $0x0;
	s0 =	rddreg [dreg:$0x2]  }
0xbd: {  	s0 =	sadd.s32 @!p0 $0x100000, s0  }
0xbe: {  	[sflag:s0] =	ssyncadd.tile.s32 @!p0 $0x1;
	_ =	shalt  }
.Lfunc_end2:
_tile_overlayer_lowered:
.L_overlay_start_2:
0xbf: {  	(tag) =	ssettag $0x2  }
0xc0: {  	s0 =	rddreg [dreg:$0x0];
	s2 =	stileid.u32  }
0xc1: {  	s1 =	rddreg [dreg:$0x1];
	p0 =	sne.s32 s2, $0x0  }
0xc2: {  	s3 =	rddreg [dreg:$0x2];
	[bflag:$0x3] =	sbarrier.arrive $0xFFFF;
	s2 =	simm.s32 @!p0 $0x1C09  }
0xc3: {  	[timem:s3], [sflag:s2] =	dma.local @!p0 [hbm:s0], s1  }
0xc4: {  	s0 =	simm.s32 @!p0 $0x9  }
0xc5: {  	_ =	swait.ge @!p0 [sflag:s0], s1  }
0xc6: {  	s1 =	ssub.s32 @!p0 $0x0, s1;
	[sflag:s0] =	ssyncset.done @!p0 $0x0  }
0xc7: {  	[sflag:s0] =	ssyncadd.s32 @!p0 s1  }
0xc8: {  	[bflag:$0x3] =	sbarrier.arrive $0xFFFF  }
0xc9: {  	_ =	shalt  }

</sc_bundles>
